<compile_context>
chip_gen: v7x
topology: tpu7x:2x2x1
jax: 0.10.2.dev20260603
libtpu: 0.0.44.dev20260713+nightly
codegen_flags: <defaults>
</compile_context>

<pallas_src>
import jax
import jax.numpy as jnp
import numpy as np

_Z = np.int32(0)
from jax.experimental import pallas as pl
from jax.experimental.pallas import tpu as pltpu

_N_ROWS = 100000
_N_UPD = 16384
_ROW32 = 256
_COPY_BLK = 2000


def _copy_body(x_ref, o_ref):
    o_ref[...] = x_ref[...]


def _scatter_body(idx_ref, v_ref, o_alias_ref, o_ref):
    del idx_ref, o_alias_ref
    o_ref[...] = v_ref[...]


def kernel(input, index, value):
    x = jax.lax.bitcast_convert_type(input, jnp.int32).reshape(_N_ROWS, _ROW32)
    v = jax.lax.bitcast_convert_type(value, jnp.int32).reshape(_N_UPD, _ROW32)
    idx = index.astype(jnp.int32)

    out0 = pl.pallas_call(
        _copy_body,
        grid=(_N_ROWS // _COPY_BLK,),
        in_specs=[pl.BlockSpec((_COPY_BLK, _ROW32), lambda i: (i, _Z))],
        out_specs=pl.BlockSpec((_COPY_BLK, _ROW32), lambda i: (i, _Z)),
        out_shape=jax.ShapeDtypeStruct((_N_ROWS, _ROW32), jnp.int32),
    )(x)

    grid_spec = pltpu.PrefetchScalarGridSpec(
        num_scalar_prefetch=1,
        grid=(_N_UPD,),
        in_specs=[
            pl.BlockSpec((1, 1, _ROW32), lambda i, idx_ref: (i, _Z, _Z)),
            pl.BlockSpec((1, 1, _ROW32), lambda i, idx_ref: (idx_ref[i], _Z, _Z)),
        ],
        out_specs=pl.BlockSpec((1, 1, _ROW32), lambda i, idx_ref: (idx_ref[i], _Z, _Z)),
    )
    out1 = pl.pallas_call(
        _scatter_body,
        grid_spec=grid_spec,
        out_shape=jax.ShapeDtypeStruct((_N_ROWS, 1, _ROW32), jnp.int32),
        input_output_aliases={2: 0},
    )(idx, v.reshape(_N_UPD, 1, _ROW32), out0.reshape(_N_ROWS, 1, _ROW32))

    out = out1.reshape(_N_ROWS, 16, 8, 2)
    return jax.lax.bitcast_convert_type(out, jnp.int64)

# --- scband reference (transcript-rebuilt; emitter-appended) ---
"""Pipeline reference for scband-index-put3-dint-non-accumulate-module-39444979647271 (READ-ONLY COPY).

The authoritative reference and input builder live on the scoring server;
editing this copy changes nothing except your own understanding.
"""

import jax, jax.numpy as jnp
import numpy as np
jax.config.update("jax_enable_x64", True)


def setup_inputs(seed: int = 0) -> dict:
    key = jax.random.key(seed)
    k1, k2, k3 = jax.random.split(key, 3)
    inp = jax.random.randint(k1, (100000, 16, 8), 0, 1000, dtype=jnp.int64)
    index = jax.random.randint(k2, (16384,), 0, 100000, dtype=jnp.int64)
    value = jax.random.randint(k3, (16384, 16, 8), 0, 1000, dtype=jnp.int64)
    return {"input": inp, "index": index, "value": value}


def reference(input, index, value):
    # torch.ops.aten.index_put(input, (index,), value, accumulate=False)
    # -> scatter-overwrite rows of `input` at positions `index` with `value`.
    # In JAX: functional .at[].set with last-write-wins semantics for duplicate
    # indices (matches non-deterministic torch duplicate behavior deterministically).
    out = input.at[index].set(value)
    return out

if __name__ == "__main__":
    import jax
    _d = setup_inputs()
    print(jax.jit(kernel)(*tuple(_d.values())))

</pallas_src>

<mosaic_0001>
module attributes {stable_mosaic.version = 14 : i64} {
  func.func @_copy_body(%arg0: i32, %arg1: memref<2000x256xi32, #tpu.memory_space<vmem>>, %arg2: memref<2000x256xi32, #tpu.memory_space<vmem>>) attributes {dimension_semantics = [#tpu.dimension_semantics<arbitrary>], iteration_bounds = array<i64: 50>, scalar_prefetch = 0 : i64, scratch_operands = 0 : i64, tpu.core_type = #tpu.core_type<tc>, window_params = [{transform_indices = @transform_0, window_bounds = array<i64: 2000, 256>}, {transform_indices = @transform_1, window_bounds = array<i64: 2000, 256>}]} {
    %get3A = arith.constant 0 : index
    %get3A_0 = arith.constant 0 : index
    %get3A_1 = vector.load %arg1[%get3A, %get3A_0] : memref<2000x256xi32, #tpu.memory_space<vmem>>, vector<2000x256xi32>
    %swap3A = arith.constant 0 : index
    %swap3A_2 = arith.constant 0 : index
    %swap3A_3 = vector.load %arg2[%swap3A, %swap3A_2] : memref<2000x256xi32, #tpu.memory_space<vmem>>, vector<2000x256xi32>
    tpu.vector_store %arg2[%swap3A, %swap3A_2], %get3A_1 {strides = array<i32>} : memref<2000x256xi32, #tpu.memory_space<vmem>>, vector<2000x256xi32>,
    return
  }
  func.func @transform_0(%arg0: i32) -> (i32, i32) {
    %c0_i32 = arith.constant 0 : i32
    %c0_i32_0 = arith.constant 0 : i32
    return %arg0, %c0_i32 : i32, i32
  }
  func.func @transform_1(%arg0: i32) -> (i32, i32) {
    %c0_i32 = arith.constant 0 : i32
    %c0_i32_0 = arith.constant 0 : i32
    return %arg0, %c0_i32 : i32, i32
  }
}

module attributes {stable_mosaic.version = 14 : i64} {
  func.func @_scatter_body(%arg0: i32, %arg1: memref<16384xi32, #tpu.memory_space<smem>>, %arg2: memref<1x1x256xi32, #tpu.memory_space<vmem>>, %arg3: memref<1x1x256xi32, #tpu.memory_space<vmem>>, %arg4: memref<1x1x256xi32, #tpu.memory_space<vmem>>) attributes {dimension_semantics = [#tpu.dimension_semantics<arbitrary>], iteration_bounds = array<i64: 16384>, scalar_prefetch = 1 : i64, scratch_operands = 0 : i64, tpu.core_type = #tpu.core_type<tc>, window_params = [{transform_indices = @transform_0, window_bounds = array<i64: 1, 1, 256>}, {transform_indices = @transform_1, window_bounds = array<i64: 1, 1, 256>}, {transform_indices = @transform_2, window_bounds = array<i64: 1, 1, 256>}]} {
    %get3A = arith.constant 0 : index
    %get3A_0 = arith.constant 0 : index
    %get3A_1 = arith.constant 0 : index
    %get3A_2 = vector.load %arg2[%get3A, %get3A_0, %get3A_1] : memref<1x1x256xi32, #tpu.memory_space<vmem>>, vector<1x1x256xi32>
    %swap3A = arith.constant 0 : index
    %swap3A_3 = arith.constant 0 : index
    %swap3A_4 = arith.constant 0 : index
    %swap3A_5 = vector.load %arg4[%swap3A, %swap3A_3, %swap3A_4] : memref<1x1x256xi32, #tpu.memory_space<vmem>>, vector<1x1x256xi32>
    tpu.vector_store %arg4[%swap3A, %swap3A_3, %swap3A_4], %get3A_2 {strides = array<i32>} : memref<1x1x256xi32, #tpu.memory_space<vmem>>, vector<1x1x256xi32>,
    return
  }
  func.func @transform_0(%arg0: i32, %arg1: memref<16384xi32, #tpu.memory_space<smem>>) -> (i32, i32, i32) {
    %c0_i32 = arith.constant 0 : i32
    %c0_i32_0 = arith.constant 0 : i32
    %c0_i32_1 = arith.constant 0 : i32
    return %arg0, %c0_i32, %c0_i32_0 : i32, i32, i32
  }
  func.func @transform_1(%arg0: i32, %arg1: memref<16384xi32, #tpu.memory_space<smem>>) -> (i32, i32, i32) {
    %get3A = arith.index_cast %arg0 : i32 to index
    %get3A_0 = memref.load %arg1[%get3A] : memref<16384xi32, #tpu.memory_space<smem>>
    %c0_i32 = arith.constant 0 : i32
    %c0_i32_1 = arith.constant 0 : i32
    %c0_i32_2 = arith.constant 0 : i32
    return %get3A_0, %c0_i32, %c0_i32_1 : i32, i32, i32
  }
  func.func @transform_2(%arg0: i32, %arg1: memref<16384xi32, #tpu.memory_space<smem>>) -> (i32, i32, i32) {
    %get3A = arith.index_cast %arg0 : i32 to index
    %get3A_0 = memref.load %arg1[%get3A] : memref<16384xi32, #tpu.memory_space<smem>>
    %c0_i32 = arith.constant 0 : i32
    %c0_i32_1 = arith.constant 0 : i32
    %c0_i32_2 = arith.constant 0 : i32
    return %get3A_0, %c0_i32, %c0_i32_1 : i32, i32, i32
  }
}

</mosaic_0001>

<sc_bundles>
// kernel: sparse-core-data-format-call.1.cloned.1.call-start
scs
called_computation.1_lowered:
.L_overlay_start_0:
0x0: {  	s1 =	sld [smem:$0x3FD9]  }
0x1: {  	s2 =	sld [smem:$0x3FFE];
	_ =	sdelay $0x1  }
0x2: {  	s3 =	srdreg.scid  }
0x3: {  	s0 =	sand.u32 $0x1, s3  }
0x4: {  	s17 =	sshll.u32 s0, $0xA;
	s1 =	sadd.s32 s2, s1  }
0x5: {  	s1 =	sadd.s32 s1, s17  }
0x6: {  	[smem:$0x3FC5] =	sst s1  }
0x7: {  	_ = 	snop  }
0x8: {  	(tm) =	ssettm $0x1  }
0x9: {  	s18 =	sld [smem:$0x3FFB];
	_ =	sdelay $0x3  }
0xa: {  	_ =	strace s18  }
0xb: {  	s1 =	sld [smem:$0x3FFC];
	_ =	sdelay $0x3  }
0xc: {  	_ =	strace s1  }
0xd: {  	s1 =	sld [smem:$0x3FFD];
	_ =	sdelay $0x3  }
0xe: {  	_ =	strace s1  }
0xf: {  	_ =	strace $0x8FFFFFFF  }
0x10: {  	s19 =	sld [smem:$0x3FDB];
	_ =	sdelay $0x1  }
0x11: {  	s20 =	simm.s32 $_scs_section_size  }
0x12: {  	s4 =	simm.s32 $_size__tile_overlayer_lowered;
	s5 =	simm.s32 $_tile_overlayer_lowered  }
0x13: {  	s23 =	simm.s32 $0x1BFF;
	s22 =	sshll.u32 s5, $0x1;
	s1 =	sadd.s32 s20, s19  }
0x14: {  	s6 =	simm.s32 $0x0;
	s21 =	sshll.u32 s4, $0x1;
	s4 =	sadd.s32 s22, s1  }
0x15: {  	[timem:s6], [sflag:s23] =	dma.local [hbm:s4], s21  }
0x16: {  	_ =	swait.ge [sflag:s23], s21  }
0x17: {  	s2 =	ssub.s32 $0x0, s21;
	[sflag:s23] =	ssyncset.done $0x0  }
0x18: {  	[sflag:s23] =	ssyncadd.s32 s2;
	_ =	sdelay $0x1  }
0x19: {  	s24 =	simm.s32 $0x1B8B  }
0x1a: {  	_ =	swait.ge [sflag:s24], $0x1  }
0x1b: {  	[sflag:s24] =	ssyncset.done $0x0  }
0x1c: {  	s26 =	simm.s32 $0x1B8E;
	s25 =	sld [smem:$0x3FFE];
	[sflag:s24] =	ssyncadd.s32 $0xFFFFFFFF  }
0x1d: {  	s27 =	simm.s32 $execute0_lowered;
	[smem:$0x3FD2] =	sst s26  }
0x1e: {  	s4 =	sshll.u32 s27, $0x1;
	_ =	strace $0x80000046;
	[dreg:$0x1] =	wrdreg $0xFFFFFFFF  }
0x1f: {  	s28 =	simm.s32 $_size_execute0_lowered;
	s1 =	sadd.s32 s1, s4;
	[dreg:$0x0] =	wrdreg $0x0  }
0x20: {  	s4 =	sshll.u32 s28, $0x1;
	[dreg:$0x2] =	wrdreg s1  }
0x21: {  	[dreg:$0x3] =	wrdreg s4  }
0x22: {  	[dreg:$0x4] =	wrdreg $0xC0  }
0x23: {  	_ =	task [dreg:s6], $0x5FFFF  }
0x24: {  	[dreg:$0x1] =	wrdreg $0xFFFFFFFF  }
0x25: {  	[dreg:$0x0] =	wrdreg $0x60  }
0x26: {  	[dreg:$0x2] =	wrdreg s25  }
0x27: {  	[dreg:$0x3] =	wrdreg $0x9  }
0x28: {  	_ =	task.clear_ibuf [dreg:s6], $0x4FFFF;
	_ =	strace $0x90000046  }
0x29: {  	s29 =	simm.s32 $0x9;
	_ =	strace $0x80000048  }
0x2a: {  	_ =	swait.ge [sflag:s29], $0x1  }
0x2b: {  	[sflag:s29] =	ssyncadd.s32 $0xFFFFFFFF  }
0x2c: {  	_ =	strace $0x90000048  }
0x2d: {  	_ =	sfence  }
0x2e: {  	s30 =	sld [smem:$0x0];
	_ =	sdelay $0x2  }
0x2f: {  	s31 =	sshll.u32 s3, $0xD;
	s3 =	sshrl.u32 s3, $0x2  }
0x30: {  	s2 =	sand.u32 $0x4000, s31;
	s1 =	sadd.s32 s3, s30  }
0x31: {  	s0 =	sor.u32 s2, s0;
	s1 =	sshll.u32 s1, $0x11  }
0x32: {  	s0 =	sor.u32 s1, s0  }
0x33: {  	s0 =	sadd.s32 $0x8F2B, s0  }
0x34: {  	[sflag:s0] =	ssyncadd.remote.s32 $0x1  }
0x35: {  	_ =	sfence.sel $0xFFFF  }
0x36: {  	[dreg:$0x0] =	wrdreg $0xFFFFFFFF;
	(pc) =	sbr.abs _section_cstart, $3  }
0x37: {  	[dreg:$0x1] =	wrdreg $0xFFFFFFFF  }
0x38: {  	_ =	task.clear_ibuf [dreg:s6], $0x2FFFF;
	_ =	strace $0x9FFFFFFF  }
0x39: {  	(tm) =	ssettm $0x7FFFFFFF  }
tec
execute0_lowered:
.L_overlay_start_1:
0x0: {  	(tag) =	ssettag $0x1  }
0x1: {  	s0 =	stileid.u32  }
0x2: {  	s1 =	srdreg.scid;
	s7 =	rddreg [dreg:$0x0];
	s31 =	simm.s32 $0x2  }
0x3: {  	s16 =	simm.s32 $0x0;
	p0 =	por $0x0, $0x0;
	s9 =	simm.s32 $0x800  }
0x4: {  	s15 =	simm.s32 $0x0;
	s10 =	simm.s32 $0x0;
	s11 =	simm.s32 $0x0  }
0x5: {  	s2 =	sshll.u32 s0, $0x7;
	s3 =	sshll.u32 s0, $0x6;
	s1 =	sshll.u32 s1, $0xA  }
0x6: {  	s14 =	simm.s32 $0x0;
	s2 =	sand.u32 $0x80, s2;
	s1 =	sor.u32 s3, s1  }
0x7: {  	s3 =	sand.u32 $0x780, s1;
	s4 =	ssub.s32 $0x100, s2;
	s1 =	rddreg [dreg:$0x1]  }
0x8: {  	s5 =	sshrl.u32 s4, $0x7;
	s6 =	ssub.s32 $0x18680, s3;
	s4 =	sshrl.u32 s4, $0x8  }
.Ltmp0:
0x9: {  	s5 =	sand.u32 $0x1, s5;
	s6 =	sshrl.u32 s6, $0xB;
	(pc) =	sbr.rel .LBB1_1-.Ltmp0, $4  }
0xa: {  	_ =	strace $0x80000047;
	s8 =	sadd.s32 s4, s5;
	s6 =	sadd.s32 $0x1, s6  }
0xb: {  	s13 =	smov.u32 s2;
	s5 =	simm.s32 $0x1;
	s6 =	smul.u32 s8, s6  }
0xc: {  	s12 =	smov.u32 s3;
	s4 =	sadd.s32 $0x1400, s7;
	[sflag:s5] =	ssyncpa.u1 $0x0  }
0xd: {  	s7 =	sadd.s32 $0x30F400, s7;
	[sflag:s31] =	ssyncpa.u1 $0x0;
	s8 =	sadd.s32 $0x1, s6  }
.LBB1_4:
0xe: {  	s21 =	sshra.s32 s21, $0x2;
	s22 =	sshll.u32 s10, $0x8  }
0xf: {  	s23 =	sshll.u32 s11, $0x3;
	s24 =	sshll.u32 s10, $0x7;
	s27 =	sand.u32 $0x78, s11  }
0x10: {  	p1 =	sgt.s32 s10, $0x18620;
	s22 =	sand.u32 $0xFFFFF800, s22;
	s23 =	sand.u32 $0xFFFFFC00, s23  }
0x11: {  	s20 =	sadd.s32 s21, s20;
	s26 =	sand.u32 $0x300, s24;
	s28 =	sand.u32 $0x80, s24  }
0x12: {  	v5 =	vld [tilespmem:s18+$0xFFFFFFD0];
	[tilespmem:s19+$0x2040 ss:$0x81] =	vst.msk $0xffff, v4;
	s25 =	sadd.s32 s23, s22;
	s22 =	sor.u32 s27, s28;
	s23 =	smov.u32 s10  }
0x13: {  	v58 =	vld [tilespmem:s18+$0xFFFFFFE0];
	[tilespmem:s19+$0x2850 ss:$0x81] =	vst.msk $0xffff, v3;
	s21 =	sor.u32 s26, s25;
	s23 =	simm.s32 @!p1 $0x18620;
	s25 =	sshra.s32 s10, $0x1F  }
0x14: {  	v59 =	vld [tilespmem:s18+$0xFFFFFFF0];
	[tilespmem:s19+$0x3060 ss:$0x81] =	vst.msk $0xffff, v2;
	p1 =	sgt.s32 s11, $0x80;
	s26 =	sshra.s32 s11, $0x1F;
	s21 =	sshrl.u32 s21, $0x8  }
0x15: {  	v60 =	vld [tilespmem:s18+$0x0];
	[tilespmem:s19+$0x0 ss:$0x81] =	vst.msk $0xffff, v1;
	s30 =	sand.u32 s25, s10;
	s25 =	smov.u32 s11;
	s31 =	sand.u32 s26, s11  }
0x16: {  	v61 =	vld [tilespmem:s18+$0x10];
	[tilespmem:s20+$0x3870 ss:$0x81] =	vst.msk $0xffff, v0;
	s29 =	smulhi.u32 $0x14F8B59, s21;
	s19 =	ssub.s32 s23, s30;
	s25 =	simm.s32 @!p1 $0x80  }
0x17: {  	v62 =	vld [tilespmem:s18+$0x20];
	[tilespmem:s20+$0x810 ss:$0x81] =	vst.msk $0xffff, v5;
	s23 =	ssub.s32 s25, s31;
	s26 =	sadd.s32 $0xFFFE79E0, s19;
	s19 =	ssub.s32 $0x186A0, s19  }
0x18: {  	v63 =	vld [tilespmem:s18+$0xFFFFFFC0];
	[tilespmem:s20+$0x1020 ss:$0x81] =	vst.msk $0xffff, v58;
	s24 =	sshrl.u32 s29, $0x9;
	p1 =	sgt.s32 s26, $0x7F;
	s28 =	sadd.s32 $0xFFFFFF80, s23  }
0x19: {  	[tilespmem:s20+$0x1830 ss:$0x81] =	vst.msk $0xffff, v59;
	s23 =	ssub.s32 $0x100, s23;
	s27 =	smul.u32 $0x186A0, s24;
	p2 =	sgt.s32 s28, $0x7F  }
0x1a: {  	[tilespmem:s20+$0x2040 ss:$0x81] =	vst.msk $0xffff, v60;
	s30 =	sand.u32 $0x7, s11;
	s19 =	simm.s32 @p1 $0x0;
	s23 =	simm.s32 @p2 $0x0  }
0x1b: {  	[tilespmem:s20+$0x2850 ss:$0x81] =	vst.msk $0xffff, v61;
	s29 =	sshrl.u32 s22, $0x3;
	s18 =	ssub.s32 s21, s27;
	s19 =	smul.u32 s23, s19  }
0x1c: {  	[tilespmem:s20+$0x3060 ss:$0x81] =	vst.msk $0xffff, v62;
	s22 =	sshll.u32 s30, $0x12;
	s21 =	sadd.s32 s7, s29;
	s18 =	sshll.u32 s18, $0x5  }
0x1d: {  	[tilespmem:s20+$0x0 ss:$0x81] =	vst.msk $0xffff, v63;
	s31 =	sor.u32 $0x400, s22;
	s19 =	sand.u32 $0x3FFFFFFF, s19;
	s18 =	sadd.s32 s18, s21  }
0x1e: {  	[hbm4b:s18+s31] =	stream.strided.scatter [tilespmem:s17], [sflag:$0x2], s19, s9, s31, $0x20;
	[tilespmem:$0x10100] =	vst v63  }
.LBB1_5:
0x1f: {  	p1 =	slt.u32 s14, $0x2  }
0x20: {  	s18 =	smov.u32 s16;
	p2 =	sgt.s32 @!p1 s16, $0x18620;
	s17 =	sshra.s32 @!p1 s16, $0x1F  }
0x21: {  	p3 =	sgt.s32 @!p1 s15, $0x80;
	s19 =	sshra.s32 @!p1 s15, $0x1F;
	p2 =	por !p2, p1  }
0x22: {  	s16 =	sand.u32 @!p1 s17, s16;
	p3 =	por !p3, p1;
	s17 =	smov.u32 s15  }
0x23: {  	s15 =	sand.u32 @!p1 s19, s15;
	s18 =	simm.s32 @p2 $0x18620;
	s17 =	simm.s32 @p3 $0x80  }
0x24: {  	s16 =	ssub.s32 @!p1 s18, s16;
	s15 =	ssub.s32 @!p1 s17, s15  }
0x25: {  	s19 =	smov.u32 s13;
	s17 =	sadd.s32 @!p1 $0xFFFE79E0, s16;
	s18 =	sadd.s32 @!p1 $0xFFFFFF80, s15  }
0x26: {  	s16 =	ssub.s32 @!p1 $0x186A0, s16;
	p2 =	sgt.s32 @!p1 s17, $0x7F;
	p3 =	sgt.s32 @!p1 s18, $0x7F  }
0x27: {  	s15 =	ssub.s32 @!p1 $0x100, s15;
	p2 =	por !p2, p1;
	p3 =	por !p3, p1  }
0x28: {  	s17 =	sadd.s32 $0x800, s12;
	s16 =	simm.s32 @!p2 $0x0;
	s15 =	simm.s32 @!p3 $0x0  }
0x29: {  	p2 =	sgt.s32 s17, $0x1869F;
	s15 =	smul.u32 @!p1 s15, s16;
	s16 =	sadd.s32 $0x100, s13  }
0x2a: {  	s19 =	smov.u32 @p2 s16  }
0x2b: {  	s17 =	smov.u32 @p2 s3;
	p2 =	sgt.s32 s19, $0xFF  }
0x2c: {  	s19 =	smov.u32 @p2 s2;
	p2 =	sne.s32 s14, s8  }
.Ltmp1:
0x2d: {  	p0 =	por !p0, !p0;
	s18 =	simm.s32 @!p1 $0x2;
	(pc) =	sbr.rel @!p2 .LBB1_6-.Ltmp1, $4  }
0x2e: {  	s16 =	smov.u32 s10;
	s10 =	smov.u32 s12;
	s15 =	sand.u32 @!p1 $0x3FFFFFFF, s15  }
0x2f: {  	s12 =	smov.u32 s17;
	_ =	swait.ge @!p1 [sflag:s18], s15;
	s20 =	ssub.s32 @!p1 $0x0, s15  }
0x30: {  	s15 =	smov.u32 s11;
	s14 =	sadd.s32 $0x1, s14;
	[sflag:s18] =	ssyncset.done @!p1 $0x0  }
0x31: {  	s11 =	smov.u32 s13;
	s13 =	smov.u32 s19;
	[sflag:s18] =	ssyncadd.s32 @!p1 s20  }
.LBB1_1:
0x32: {  	p1 =	sge.u32 s14, s6  }
0x33: {  	s17 =	sshrl.u32 @!p1 s13, $0x3  }
0x34: {  	s18 =	sshll.u32 @!p1 s12, $0x3;
	s17 =	smul.u32 @!p1 $0xC3800, s17  }
0x35: {  	s19 =	sshll.u32 @!p1 s13, $0x7;
	s18 =	sand.u32 @!p1 $0xFFFFFC00, s18  }
0x36: {  	s17 =	sadd.s32 @!p1 s17, s18;
	s18 =	sand.u32 @!p1 $0x380, s19  }
0x37: {  	s19 =	sand.u32 @!p1 $0x7F, s12;
	s17 =	sor.u32 @!p1 s18, s17  }
0x38: {  	s18 =	sor.u32 @!p1 s19, s17  }
0x39: {  	s19 =	smulhi.u32 @!p1 $0xA79C7B17, s18;
	_ =	sdelay $0x1  }
0x3a: {  	s17 =	smulhi.u32 @!p1 $0xA79C7B17, s17;
	s19 =	sshrl.u32 @!p1 s19, $0x10  }
0x3b: {  	s19 =	smul.u32 @!p1 $0x18700, s19  }
0x3c: {  	s31 =	sadd.s32 $0xFFFFFFFF, s14;
	s20 =	sxor.u32 @!p1 $0xFFFFFFFF, s14;
	s17 =	sshrl.u32 @!p1 s17, $0x10  }
0x3d: {  	s20 =	sshll.u32 @!p1 s20, $0xE;
	s17 =	sand.u32 @!p1 $0xFF, s17;
	s18 =	ssub.s32 @!p1 s18, s19  }
0x3e: {  	s17 =	smul.u32 @!p1 $0x30E0, s17;
	s19 =	sshrl.u32 @!p1 s18, $0x3;
	s18 =	sand.u32 @!p1 $0x7, s18  }
0x3f: {  	s20 =	sand.u32 @!p1 $0x4000, s20;
	s19 =	sadd.s32 @!p1 s4, s19;
	s18 =	sshll.u32 @!p1 s18, $0x12  }
0x40: {  	s17 =	sadd.s32 @!p1 s17, s19;
	s18 =	sor.u32 @!p1 $0x400, s18;
	s19 =	simm.s32 @!p1 $0xC3800  }
0x41: {  	[tilespmem:s20], [sflag:$0x1] =	stream.strided.gather @!p1 [hbm4b:s17+s18], $0x4000, s19, s18, $0x38;
	[tilespmem:$0x10100] =	vst v63  }
0x42: {  	p1 =	sge.u32 s31, s6  }
.Ltmp2:
0x43: {  	_ = 	snop;
	(pc) =	sbr.rel @p1 .LBB1_5-.Ltmp2, $1  }
0x44: {  	_ =	sdelay $0x3  }
0x45: {  	s17 =	simm.s32 $0x1  }
0x46: {  	_ =	swait.ge [sflag:s5], $0x4000;
	s17 =	simm.s32 @!p0 $0x0  }
0x47: {  	[sflag:s5] =	ssyncset.done $0x0;
	s18 =	sshll.u32 s17, $0xE  }
0x48: {  	[sflag:s5] =	ssyncadd.s32 $0xFFFFC000;
	s18 =	sor.u32 $0x40, s18  }
0x49: {  	s17 =	smul.u32 $0x10200, s17;
	v0 =	vld [tilespmem:s18+$0x30]  }
0x4a: {  	v1 =	vld [tilespmem:s18+$0xFFFFFFD0]  }
0x4b: {  	s17 =	sshrl.u32 s17, $0x2;
	v5 =	vld [tilespmem:s18+$0xFFFFFFE0]  }
0x4c: {  	v6 =	vld [tilespmem:s18+$0xFFFFFFF0];
	s20 =	sor.u32 $0x8000, s17  }
0x4d: {  	s31 =	sand.u32 $0x1, s14;
	v4 =	vld [tilespmem:s18+$0x0];
	s19 =	sadd.s32 $0x0, s20  }
0x4e: {  	v3 =	vld [tilespmem:s18+$0x10];
	s17 =	smul.u32 $0x10200, s31;
	[tilespmem:s19+$0x3870 ss:$0x81] =	vst.msk $0xffff, v0  }
0x4f: {  	v2 =	vld [tilespmem:s18+$0x20];
	[tilespmem:s19+$0x810 ss:$0x81] =	vst.msk $0xffff, v1  }
0x50: {  	s17 =	sshrl.u32 s17, $0x2;
	v1 =	vld [tilespmem:s18+$0xFFFFFFC0];
	[tilespmem:s19+$0x1020 ss:$0x81] =	vst.msk $0xffff, v5;
	s18 =	sadd.s32 $0x80, s18  }
0x51: {  	s21 =	simm.s32 $0x4;
	s22 =	simm.s32 $0x8;
	s17 =	sor.u32 $0x8000, s17;
	[tilespmem:s19+$0x1830 ss:$0x81] =	vst.msk $0xffff, v6;
	v0 =	vld [tilespmem:s18+$0x30]  }
.LBB1_3:
0x52: {  	p1 =	sne.s32 s22, $0x1FC;
	v5 =	vld [tilespmem:s18+$0xFFFFFFD0];
	[tilespmem:s19+$0x2040 ss:$0x81] =	vst.msk $0xffff, v4  }
0x53: {  	v6 =	vld [tilespmem:s18+$0xFFFFFFE0];
	[tilespmem:s19+$0x2850 ss:$0x81] =	vst.msk $0xffff, v3  }
0x54: {  	s23 =	sshra.s32 s21, $0x2;
	s21 =	smov.u32 s22;
	v7 =	vld [tilespmem:s18+$0xFFFFFFF0];
	[tilespmem:s19+$0x3060 ss:$0x81] =	vst.msk $0xffff, v2  }
.Ltmp3:
0x55: {  	v4 =	vld [tilespmem:s18+$0x0];
	[tilespmem:s19+$0x0 ss:$0x81] =	vst.msk $0xffff, v1;
	s19 =	sadd.s32 s23, s20;
	(pc) =	sbr.rel @p1 .LBB1_3-.Ltmp3, $4  }
0x56: {  	v3 =	vld [tilespmem:s18+$0x10];
	[tilespmem:s19+$0x3870 ss:$0x81] =	vst.msk $0xffff, v0  }
0x57: {  	[tilespmem:s19+$0x810 ss:$0x81] =	vst.msk $0xffff, v5;
	v2 =	vld [tilespmem:s18+$0x20]  }
0x58: {  	v1 =	vld [tilespmem:s18+$0xFFFFFFC0];
	[tilespmem:s19+$0x1020 ss:$0x81] =	vst.msk $0xffff, v6;
	s18 =	sadd.s32 $0x80, s18  }
0x59: {  	s22 =	sadd.s32 $0x4, s22;
	v0 =	vld [tilespmem:s18+$0x30];
	[tilespmem:s19+$0x1830 ss:$0x81] =	vst.msk $0xffff, v7  }
.Ltmp4:
0x5a: {  	_ = 	snop;
	(pc) =	sbr.rel .LBB1_4-.Ltmp4, $1  }
0x5b: {  	_ =	sdelay $0x3  }
.LBB1_6:
0x5c: {  	_ =	sfence.sel $0x180000  }
0x5d: {  	s2 =	simm.s32 $0x1;
	[bflag:$0x0] =	sbarrier.arrive $0xFFFF  }
0x5e: {  	s31 =	simm.s32 $0x2;
	[sflag:s2] =	ssyncpa.u1 $0x1  }
0x5f: {  	[sflag:s31] =	ssyncpa.u1 $0x1  }
0x60: {  	p0 =	sne.s32 s0, $0x0;
	_ =	strace $0x90000047  }
0x61: {  	s0 =	sadd.s32 @!p0 $0x100000, s1;
	[bflag:$0x2] =	sbarrier.arrive $0xFFFF  }
0x62: {  	[sflag:s0] =	ssyncadd.tile.s32 @!p0 $0x1;
	_ =	shalt  }
.Lfunc_end1:
_tile_overlayer_lowered:
.L_overlay_start_2:
0x63: {  	(tag) =	ssettag $0x2  }
0x64: {  	s0 =	rddreg [dreg:$0x0];
	s2 =	stileid.u32  }
0x65: {  	s1 =	rddreg [dreg:$0x1];
	p0 =	sne.s32 s2, $0x0  }
0x66: {  	s3 =	rddreg [dreg:$0x2];
	[bflag:$0x3] =	sbarrier.arrive $0xFFFF;
	s2 =	simm.s32 @!p0 $0x1C01  }
0x67: {  	[timem:s3], [sflag:s2] =	dma.local @!p0 [hbm:s0], s1  }
0x68: {  	s0 =	simm.s32 @!p0 $0x1  }
0x69: {  	_ =	swait.ge @!p0 [sflag:s0], s1  }
0x6a: {  	s1 =	ssub.s32 @!p0 $0x0, s1;
	[sflag:s0] =	ssyncset.done @!p0 $0x0  }
0x6b: {  	[sflag:s0] =	ssyncadd.s32 @!p0 s1  }
0x6c: {  	[bflag:$0x3] =	sbarrier.arrive $0xFFFF  }
0x6d: {  	_ =	shalt  }

// kernel: sparse-core-data-format-call.2.cloned.1.call-start
scs
called_computation.2_lowered:
.L_overlay_start_0:
0x0: {  	s2 =	sld [smem:$0x3FD9]  }
0x1: {  	s3 =	sld [smem:$0x3FFE];
	_ =	sdelay $0x1  }
0x2: {  	s1 =	srdreg.scid  }
0x3: {  	s0 =	sand.u32 $0x1, s1  }
0x4: {  	s18 =	sshll.u32 s0, $0xA;
	s2 =	sadd.s32 s3, s2  }
0x5: {  	s2 =	sadd.s32 s2, s18  }
0x6: {  	[smem:$0x3FC5] =	sst s2  }
0x7: {  	_ = 	snop  }
0x8: {  	s19 =	sld [smem:$0x3FD0];
	(tm) =	ssettm $0x1  }
0x9: {  	s20 =	sld [smem:$0x3FFB];
	_ =	sdelay $0x3  }
0xa: {  	_ =	strace s20  }
0xb: {  	s2 =	sld [smem:$0x3FFC];
	_ =	sdelay $0x3  }
0xc: {  	_ =	strace s2  }
0xd: {  	s2 =	sld [smem:$0x3FFD];
	_ =	sdelay $0x3  }
0xe: {  	_ =	strace s2  }
0xf: {  	_ =	strace $0x8FFFFFFF  }
0x10: {  	s21 =	sld [smem:$0x3FDB];
	_ =	sdelay $0x1  }
0x11: {  	s4 =	simm.s32 $_scs_section_size  }
0x12: {  	s5 =	simm.s32 $_size__tile_overlayer_lowered;
	s6 =	simm.s32 $_tile_overlayer_lowered  }
0x13: {  	s7 =	simm.s32 $0x1BFF;
	s22 =	sshll.u32 s6, $0x1;
	s4 =	sadd.s32 s4, s21  }
0x14: {  	s23 =	simm.s32 $0x0;
	s5 =	sshll.u32 s5, $0x1;
	s6 =	sadd.s32 s22, s4  }
0x15: {  	[timem:s23], [sflag:s7] =	dma.local [hbm:s6], s5  }
0x16: {  	_ =	swait.ge [sflag:s7], s5  }
0x17: {  	s5 =	ssub.s32 $0x0, s5;
	[sflag:s7] =	ssyncset.done $0x0  }
0x18: {  	[sflag:s7] =	ssyncadd.s32 s5;
	_ =	sdelay $0x1  }
0x19: {  	s24 =	simm.s32 $0x1B8B  }
0x1a: {  	_ =	swait.ge [sflag:s24], $0x1  }
0x1b: {  	[sflag:s24] =	ssyncset.done $0x0  }
0x1c: {  	[sflag:s24] =	ssyncadd.s32 $0xFFFFFFFF  }
0x1d: {  	s5 =	sld [smem:$0x0]  }
0x1e: {  	s6 =	sand.u32 $0xFFFFFFFE, s1  }
0x1f: {  	p0 =	sne.s32 s1, s6  }
0x20: {  	s6 =	sshll.u32 @p0 s6, $0xE  }
0x21: {  	s6 =	sadd.s32 @p0 $0x11B8D, s6;
	s7 =	sshll.u32 @p0 s5, $0x11  }
0x22: {  	s6 =	sor.u32 @p0 s7, s6  }
0x23: {  	[sflag:s6] =	ssyncadd.remote.s32 @p0 $0x1;
	_ =	sdelay $0x1  }
0x24: {  	s6 =	simm.s32 @p0 $0x1B8D  }
0x25: {  	_ =	swait.eq @p0 [sflag:s6], $0x1  }
0x26: {  	[sflag:s6] =	ssyncadd.s32 @p0 $0xFFFFFFFF  }
0x27: {  	s7 =	sshll.u32 @!p0 s1, $0xE  }
0x28: {  	s7 =	sor.u32 @!p0 $0x4000, s7;
	s6 =	simm.s32 @!p0 $0x1B8D  }
0x29: {  	s5 =	sshll.u32 @!p0 s5, $0x11;
	s7 =	sadd.s32 @!p0 $0x11B8D, s7;
	_ =	swait.eq @!p0 [sflag:s6], $0x1  }
0x2a: {  	s5 =	sor.u32 @!p0 s5, s7;
	[sflag:s6] =	ssyncadd.s32 @!p0 $0xFFFFFFFF  }
0x2b: {  	s26 =	simm.s32 $0x1B8E;
	s25 =	sld [smem:$0x3FFE];
	[sflag:s5] =	ssyncadd.remote.s32 @!p0 $0x1  }
0x2c: {  	s27 =	simm.s32 $execute0_lowered;
	[smem:$0x3FD2] =	sst s26  }
0x2d: {  	s6 =	sshll.u32 s27, $0x1;
	_ =	strace $0x80000049;
	[dreg:$0x1] =	wrdreg $0xFFFFFFFF  }
0x2e: {  	s28 =	simm.s32 $_size_execute0_lowered;
	s4 =	sadd.s32 s4, s6;
	[dreg:$0x0] =	wrdreg $0x0  }
0x2f: {  	s6 =	sshll.u32 s28, $0x1;
	[dreg:$0x2] =	wrdreg s4  }
0x30: {  	[dreg:$0x3] =	wrdreg s6  }
0x31: {  	[dreg:$0x4] =	wrdreg $0xC0  }
0x32: {  	_ =	task [dreg:s23], $0x5FFFF  }
0x33: {  	[dreg:$0x1] =	wrdreg $0xFFFFFFFF  }
0x34: {  	[dreg:$0x0] =	wrdreg $0x60  }
0x35: {  	[dreg:$0x2] =	wrdreg s25  }
0x36: {  	[dreg:$0x3] =	wrdreg s19  }
0x37: {  	[dreg:$0x4] =	wrdreg $0xA  }
0x38: {  	_ =	task.clear_ibuf [dreg:s23], $0x5FFFF;
	_ =	strace $0x90000049  }
0x39: {  	s29 =	simm.s32 $0xA;
	_ =	strace $0x8000004B  }
0x3a: {  	_ =	swait.ge [sflag:s29], $0x1  }
0x3b: {  	[sflag:s29] =	ssyncadd.s32 $0xFFFFFFFF  }
0x3c: {  	_ =	strace $0x9000004B  }
0x3d: {  	_ =	sfence  }
0x3e: {  	s30 =	sld [smem:$0x0];
	_ =	sdelay $0x2  }
0x3f: {  	s31 =	sshll.u32 s1, $0xD;
	s1 =	sshrl.u32 s1, $0x2  }
0x40: {  	s4 =	sand.u32 $0x4000, s31;
	s1 =	sadd.s32 s1, s30  }
0x41: {  	s0 =	sor.u32 s4, s0;
	s1 =	sshll.u32 s1, $0x11  }
0x42: {  	s0 =	sor.u32 s1, s0  }
0x43: {  	s0 =	sadd.s32 $0x8F2B, s0  }
0x44: {  	[sflag:s0] =	ssyncadd.remote.s32 $0x1  }
0x45: {  	_ =	sfence.sel $0xFFFF  }
0x46: {  	[dreg:$0x0] =	wrdreg $0xFFFFFFFF;
	(pc) =	sbr.abs _section_cstart, $3  }
0x47: {  	[dreg:$0x1] =	wrdreg $0xFFFFFFFF  }
0x48: {  	_ =	task.clear_ibuf [dreg:s23], $0x2FFFF;
	_ =	strace $0x9FFFFFFF  }
0x49: {  	(tm) =	ssettm $0x7FFFFFFF  }
tec
execute0_lowered:
.L_overlay_start_1:
0x0: {  	(tag) =	ssettag $0x1  }
0x1: {  	s0 =	stileid.u32  }
0x2: {  	s1 =	srdreg.scid;
	s7 =	rddreg [dreg:$0x0];
	s31 =	simm.s32 $0x2  }
0x3: {  	s16 =	simm.s32 $0x0;
	p0 =	por $0x0, $0x0;
	s9 =	simm.s32 $0x800  }
0x4: {  	s15 =	simm.s32 $0x0;
	s10 =	simm.s32 $0x0;
	s11 =	simm.s32 $0x0  }
0x5: {  	s2 =	sshll.u32 s0, $0x7;
	s3 =	sshll.u32 s0, $0x6;
	s4 =	sshll.u32 s1, $0xA  }
0x6: {  	s14 =	simm.s32 $0x0;
	s1 =	sand.u32 $0x80, s2;
	s29 =	sor.u32 s3, s4  }
0x7: {  	s4 =	rddreg [dreg:$0x1];
	s3 =	sand.u32 $0x780, s29;
	s30 =	ssub.s32 $0x100, s1  }
0x8: {  	s5 =	sshrl.u32 s30, $0x7;
	s6 =	ssub.s32 $0x18680, s3;
	s8 =	sshrl.u32 s30, $0x8  }
.Ltmp0:
0x9: {  	s5 =	sand.u32 $0x1, s5;
	s6 =	sshrl.u32 s6, $0xB;
	(pc) =	sbr.rel .LBB1_1-.Ltmp0, $4  }
0xa: {  	s2 =	rddreg [dreg:$0x2];
	s8 =	sadd.s32 s8, s5;
	s6 =	sadd.s32 $0x1, s6  }
0xb: {  	_ =	strace $0x8000004A;
	s5 =	simm.s32 $0x1;
	s6 =	smul.u32 s8, s6  }
0xc: {  	s7 =	sadd.s32 $0x61C800, s7;
	s13 =	smov.u32 s1;
	[sflag:s5] =	ssyncpa.u1 $0x0  }
0xd: {  	s12 =	smov.u32 s3;
	[sflag:s31] =	ssyncpa.u1 $0x0;
	s8 =	sadd.s32 $0x1, s6  }
.LBB1_4:
0xe: {  	s21 =	sshra.s32 s21, $0x2;
	s22 =	sshll.u32 s10, $0x8  }
0xf: {  	s23 =	sshll.u32 s11, $0x3;
	s24 =	sshll.u32 s10, $0x7;
	s27 =	sand.u32 $0x78, s11  }
0x10: {  	p1 =	sgt.s32 s10, $0x18620;
	s22 =	sand.u32 $0xFFFFF800, s22;
	s23 =	sand.u32 $0xFFFFFC00, s23  }
0x11: {  	s20 =	sadd.s32 s21, s20;
	s26 =	sand.u32 $0x300, s24;
	s28 =	sand.u32 $0x80, s24  }
0x12: {  	v5 =	vld [tilespmem:s18+$0xFFFFFFD0];
	[tilespmem:s19+$0x2040 ss:$0x81] =	vst.msk $0xffff, v4;
	s25 =	sadd.s32 s23, s22;
	s22 =	sor.u32 s27, s28;
	s23 =	smov.u32 s10  }
0x13: {  	v58 =	vld [tilespmem:s18+$0xFFFFFFE0];
	[tilespmem:s19+$0x2850 ss:$0x81] =	vst.msk $0xffff, v3;
	s21 =	sor.u32 s26, s25;
	s23 =	simm.s32 @!p1 $0x18620;
	s25 =	sshra.s32 s10, $0x1F  }
0x14: {  	v59 =	vld [tilespmem:s18+$0xFFFFFFF0];
	[tilespmem:s19+$0x3060 ss:$0x81] =	vst.msk $0xffff, v2;
	p1 =	sgt.s32 s11, $0x80;
	s26 =	sshra.s32 s11, $0x1F;
	s21 =	sshrl.u32 s21, $0x8  }
0x15: {  	v60 =	vld [tilespmem:s18+$0x0];
	[tilespmem:s19+$0x0 ss:$0x81] =	vst.msk $0xffff, v1;
	s30 =	sand.u32 s25, s10;
	s25 =	smov.u32 s11;
	s31 =	sand.u32 s26, s11  }
0x16: {  	v61 =	vld [tilespmem:s18+$0x10];
	[tilespmem:s20+$0x3870 ss:$0x81] =	vst.msk $0xffff, v0;
	s29 =	smulhi.u32 $0x14F8B59, s21;
	s19 =	ssub.s32 s23, s30;
	s25 =	simm.s32 @!p1 $0x80  }
0x17: {  	v62 =	vld [tilespmem:s18+$0x20];
	[tilespmem:s20+$0x810 ss:$0x81] =	vst.msk $0xffff, v5;
	s23 =	ssub.s32 s25, s31;
	s26 =	sadd.s32 $0xFFFE79E0, s19;
	s19 =	ssub.s32 $0x186A0, s19  }
0x18: {  	v63 =	vld [tilespmem:s18+$0xFFFFFFC0];
	[tilespmem:s20+$0x1020 ss:$0x81] =	vst.msk $0xffff, v58;
	s24 =	sshrl.u32 s29, $0x9;
	p1 =	sgt.s32 s26, $0x7F;
	s28 =	sadd.s32 $0xFFFFFF80, s23  }
0x19: {  	[tilespmem:s20+$0x1830 ss:$0x81] =	vst.msk $0xffff, v59;
	s23 =	ssub.s32 $0x100, s23;
	s27 =	smul.u32 $0x186A0, s24;
	p2 =	sgt.s32 s28, $0x7F  }
0x1a: {  	[tilespmem:s20+$0x2040 ss:$0x81] =	vst.msk $0xffff, v60;
	s30 =	sand.u32 $0x7, s11;
	s19 =	simm.s32 @p1 $0x0;
	s23 =	simm.s32 @p2 $0x0  }
0x1b: {  	[tilespmem:s20+$0x2850 ss:$0x81] =	vst.msk $0xffff, v61;
	s29 =	sshrl.u32 s22, $0x3;
	s18 =	ssub.s32 s21, s27;
	s19 =	smul.u32 s23, s19  }
0x1c: {  	[tilespmem:s20+$0x3060 ss:$0x81] =	vst.msk $0xffff, v62;
	s22 =	sshll.u32 s30, $0x12;
	s21 =	sadd.s32 s4, s29;
	s18 =	sshll.u32 s18, $0x5  }
0x1d: {  	[tilespmem:s20+$0x0 ss:$0x81] =	vst.msk $0xffff, v63;
	s31 =	sor.u32 $0x400, s22;
	s19 =	sand.u32 $0x3FFFFFFF, s19;
	s18 =	sadd.s32 s18, s21  }
0x1e: {  	[hbm4b:s18+s31] =	stream.strided.scatter [tilespmem:s17], [sflag:$0x2], s19, s9, s31, $0x20;
	[tilespmem:$0x10100] =	vst v63  }
.LBB1_5:
0x1f: {  	p1 =	slt.u32 s14, $0x2  }
0x20: {  	s18 =	smov.u32 s16;
	p2 =	sgt.s32 @!p1 s16, $0x18620;
	s17 =	sshra.s32 @!p1 s16, $0x1F  }
0x21: {  	p3 =	sgt.s32 @!p1 s15, $0x80;
	s19 =	sshra.s32 @!p1 s15, $0x1F;
	p2 =	por !p2, p1  }
0x22: {  	s16 =	sand.u32 @!p1 s17, s16;
	p3 =	por !p3, p1;
	s17 =	smov.u32 s15  }
0x23: {  	s15 =	sand.u32 @!p1 s19, s15;
	s18 =	simm.s32 @p2 $0x18620;
	s17 =	simm.s32 @p3 $0x80  }
0x24: {  	s16 =	ssub.s32 @!p1 s18, s16;
	s15 =	ssub.s32 @!p1 s17, s15  }
0x25: {  	s19 =	smov.u32 s13;
	s17 =	sadd.s32 @!p1 $0xFFFE79E0, s16;
	s18 =	sadd.s32 @!p1 $0xFFFFFF80, s15  }
0x26: {  	s16 =	ssub.s32 @!p1 $0x186A0, s16;
	p2 =	sgt.s32 @!p1 s17, $0x7F;
	p3 =	sgt.s32 @!p1 s18, $0x7F  }
0x27: {  	s15 =	ssub.s32 @!p1 $0x100, s15;
	p2 =	por !p2, p1;
	p3 =	por !p3, p1  }
0x28: {  	s17 =	sadd.s32 $0x800, s12;
	s16 =	simm.s32 @!p2 $0x0;
	s15 =	simm.s32 @!p3 $0x0  }
0x29: {  	p2 =	sgt.s32 s17, $0x1869F;
	s15 =	smul.u32 @!p1 s15, s16;
	s16 =	sadd.s32 $0x100, s13  }
0x2a: {  	s19 =	smov.u32 @p2 s16  }
0x2b: {  	s17 =	smov.u32 @p2 s3;
	p2 =	sgt.s32 s19, $0xFF  }
0x2c: {  	s19 =	smov.u32 @p2 s1;
	p2 =	sne.s32 s14, s8  }
.Ltmp1:
0x2d: {  	p0 =	por !p0, !p0;
	s18 =	simm.s32 @!p1 $0x2;
	(pc) =	sbr.rel @!p2 .LBB1_6-.Ltmp1, $4  }
0x2e: {  	s16 =	smov.u32 s10;
	s10 =	smov.u32 s12;
	s15 =	sand.u32 @!p1 $0x3FFFFFFF, s15  }
0x2f: {  	s12 =	smov.u32 s17;
	_ =	swait.ge @!p1 [sflag:s18], s15;
	s20 =	ssub.s32 @!p1 $0x0, s15  }
0x30: {  	s15 =	smov.u32 s11;
	s14 =	sadd.s32 $0x1, s14;
	[sflag:s18] =	ssyncset.done @!p1 $0x0  }
0x31: {  	s11 =	smov.u32 s13;
	s13 =	smov.u32 s19;
	[sflag:s18] =	ssyncadd.s32 @!p1 s20  }
.LBB1_1:
0x32: {  	p1 =	sge.u32 s14, s6  }
0x33: {  	s17 =	sshrl.u32 @!p1 s13, $0x3  }
0x34: {  	s18 =	sshll.u32 @!p1 s12, $0x3;
	s17 =	smul.u32 @!p1 $0xC3800, s17  }
0x35: {  	s19 =	sshll.u32 @!p1 s13, $0x7;
	s18 =	sand.u32 @!p1 $0xFFFFFC00, s18  }
0x36: {  	s17 =	sadd.s32 @!p1 s17, s18;
	s18 =	sand.u32 @!p1 $0x380, s19  }
0x37: {  	s19 =	sand.u32 @!p1 $0x7F, s12;
	s17 =	sor.u32 @!p1 s18, s17  }
0x38: {  	s18 =	sor.u32 @!p1 s19, s17  }
0x39: {  	s19 =	smulhi.u32 @!p1 $0xA79C7B17, s18;
	_ =	sdelay $0x1  }
0x3a: {  	s17 =	smulhi.u32 @!p1 $0xA79C7B17, s17;
	s19 =	sshrl.u32 @!p1 s19, $0x10  }
0x3b: {  	s19 =	smul.u32 @!p1 $0x18700, s19  }
0x3c: {  	s31 =	sadd.s32 $0xFFFFFFFF, s14;
	s20 =	sxor.u32 @!p1 $0xFFFFFFFF, s14;
	s17 =	sshrl.u32 @!p1 s17, $0x10  }
0x3d: {  	s20 =	sshll.u32 @!p1 s20, $0xE;
	s17 =	sand.u32 @!p1 $0xFF, s17;
	s18 =	ssub.s32 @!p1 s18, s19  }
0x3e: {  	s17 =	smul.u32 @!p1 $0x30E0, s17;
	s19 =	sshrl.u32 @!p1 s18, $0x3;
	s18 =	sand.u32 @!p1 $0x7, s18  }
0x3f: {  	s20 =	sand.u32 @!p1 $0x4000, s20;
	s19 =	sadd.s32 @!p1 s7, s19;
	s18 =	sshll.u32 @!p1 s18, $0x12  }
0x40: {  	s17 =	sadd.s32 @!p1 s17, s19;
	s18 =	sor.u32 @!p1 $0x400, s18;
	s19 =	simm.s32 @!p1 $0xC3800  }
0x41: {  	[tilespmem:s20], [sflag:$0x1] =	stream.strided.gather @!p1 [hbm4b:s17+s18], $0x4000, s19, s18, $0x38;
	[tilespmem:$0x10100] =	vst v63  }
0x42: {  	p1 =	sge.u32 s31, s6  }
.Ltmp2:
0x43: {  	_ = 	snop;
	(pc) =	sbr.rel @p1 .LBB1_5-.Ltmp2, $1  }
0x44: {  	_ =	sdelay $0x3  }
0x45: {  	s17 =	simm.s32 $0x1  }
0x46: {  	_ =	swait.ge [sflag:s5], $0x4000;
	s17 =	simm.s32 @!p0 $0x0  }
0x47: {  	[sflag:s5] =	ssyncset.done $0x0;
	s18 =	sshll.u32 s17, $0xE  }
0x48: {  	[sflag:s5] =	ssyncadd.s32 $0xFFFFC000;
	s18 =	sor.u32 $0x40, s18  }
0x49: {  	s17 =	smul.u32 $0x10200, s17;
	v0 =	vld [tilespmem:s18+$0x30]  }
0x4a: {  	v1 =	vld [tilespmem:s18+$0xFFFFFFD0]  }
0x4b: {  	s17 =	sshrl.u32 s17, $0x2;
	v5 =	vld [tilespmem:s18+$0xFFFFFFE0]  }
0x4c: {  	v6 =	vld [tilespmem:s18+$0xFFFFFFF0];
	s20 =	sor.u32 $0x8000, s17  }
0x4d: {  	s31 =	sand.u32 $0x1, s14;
	v4 =	vld [tilespmem:s18+$0x0];
	s19 =	sadd.s32 $0x0, s20  }
0x4e: {  	v3 =	vld [tilespmem:s18+$0x10];
	s17 =	smul.u32 $0x10200, s31;
	[tilespmem:s19+$0x3870 ss:$0x81] =	vst.msk $0xffff, v0  }
0x4f: {  	v2 =	vld [tilespmem:s18+$0x20];
	[tilespmem:s19+$0x810 ss:$0x81] =	vst.msk $0xffff, v1  }
0x50: {  	s17 =	sshrl.u32 s17, $0x2;
	v1 =	vld [tilespmem:s18+$0xFFFFFFC0];
	[tilespmem:s19+$0x1020 ss:$0x81] =	vst.msk $0xffff, v5;
	s18 =	sadd.s32 $0x80, s18  }
0x51: {  	s21 =	simm.s32 $0x4;
	s22 =	simm.s32 $0x8;
	s17 =	sor.u32 $0x8000, s17;
	[tilespmem:s19+$0x1830 ss:$0x81] =	vst.msk $0xffff, v6;
	v0 =	vld [tilespmem:s18+$0x30]  }
.LBB1_3:
0x52: {  	p1 =	sne.s32 s22, $0x1FC;
	v5 =	vld [tilespmem:s18+$0xFFFFFFD0];
	[tilespmem:s19+$0x2040 ss:$0x81] =	vst.msk $0xffff, v4  }
0x53: {  	v6 =	vld [tilespmem:s18+$0xFFFFFFE0];
	[tilespmem:s19+$0x2850 ss:$0x81] =	vst.msk $0xffff, v3  }
0x54: {  	s23 =	sshra.s32 s21, $0x2;
	s21 =	smov.u32 s22;
	v7 =	vld [tilespmem:s18+$0xFFFFFFF0];
	[tilespmem:s19+$0x3060 ss:$0x81] =	vst.msk $0xffff, v2  }
.Ltmp3:
0x55: {  	v4 =	vld [tilespmem:s18+$0x0];
	[tilespmem:s19+$0x0 ss:$0x81] =	vst.msk $0xffff, v1;
	s19 =	sadd.s32 s23, s20;
	(pc) =	sbr.rel @p1 .LBB1_3-.Ltmp3, $4  }
0x56: {  	v3 =	vld [tilespmem:s18+$0x10];
	[tilespmem:s19+$0x3870 ss:$0x81] =	vst.msk $0xffff, v0  }
0x57: {  	[tilespmem:s19+$0x810 ss:$0x81] =	vst.msk $0xffff, v5;
	v2 =	vld [tilespmem:s18+$0x20]  }
0x58: {  	v1 =	vld [tilespmem:s18+$0xFFFFFFC0];
	[tilespmem:s19+$0x1020 ss:$0x81] =	vst.msk $0xffff, v6;
	s18 =	sadd.s32 $0x80, s18  }
0x59: {  	s22 =	sadd.s32 $0x4, s22;
	v0 =	vld [tilespmem:s18+$0x30];
	[tilespmem:s19+$0x1830 ss:$0x81] =	vst.msk $0xffff, v7  }
.Ltmp4:
0x5a: {  	_ = 	snop;
	(pc) =	sbr.rel .LBB1_4-.Ltmp4, $1  }
0x5b: {  	_ =	sdelay $0x3  }
.LBB1_6:
0x5c: {  	_ =	sfence.sel $0x180000  }
0x5d: {  	s1 =	simm.s32 $0x1;
	[bflag:$0x0] =	sbarrier.arrive $0xFFFF  }
0x5e: {  	s31 =	simm.s32 $0x2;
	[sflag:s1] =	ssyncpa.u1 $0x1  }
0x5f: {  	[sflag:s31] =	ssyncpa.u1 $0x1  }
0x60: {  	p0 =	sne.s32 s0, $0x0;
	_ =	strace $0x9000004A  }
0x61: {  	s0 =	sadd.s32 @!p0 $0x100000, s2;
	[bflag:$0x2] =	sbarrier.arrive $0xFFFF  }
0x62: {  	[sflag:s0] =	ssyncadd.tile.s32 @!p0 $0x1;
	_ =	shalt  }
.Lfunc_end1:
_tile_overlayer_lowered:
.L_overlay_start_2:
0x63: {  	(tag) =	ssettag $0x2  }
0x64: {  	s0 =	rddreg [dreg:$0x0];
	s2 =	stileid.u32  }
0x65: {  	s1 =	rddreg [dreg:$0x1];
	p0 =	sne.s32 s2, $0x0  }
0x66: {  	s3 =	rddreg [dreg:$0x2];
	[bflag:$0x3] =	sbarrier.arrive $0xFFFF;
	s2 =	simm.s32 @!p0 $0x1C01  }
0x67: {  	[timem:s3], [sflag:s2] =	dma.local @!p0 [hbm:s0], s1  }
0x68: {  	s0 =	simm.s32 @!p0 $0x1  }
0x69: {  	_ =	swait.ge @!p0 [sflag:s0], s1  }
0x6a: {  	s1 =	ssub.s32 @!p0 $0x0, s1;
	[sflag:s0] =	ssyncset.done @!p0 $0x0  }
0x6b: {  	[sflag:s0] =	ssyncadd.s32 @!p0 s1  }
0x6c: {  	[bflag:$0x3] =	sbarrier.arrive $0xFFFF  }
0x6d: {  	_ =	shalt  }

// kernel: sparse-core-data-format-call.cloned.1.call-start
scs
called_computation_lowered:
.L_overlay_start_0:
0x0: {  	s1 =	sld [smem:$0x3FD9]  }
0x1: {  	s2 =	sld [smem:$0x3FFE];
	_ =	sdelay $0x1  }
0x2: {  	s3 =	srdreg.scid  }
0x3: {  	s0 =	sand.u32 $0x1, s3  }
0x4: {  	s17 =	sshll.u32 s0, $0xA;
	s1 =	sadd.s32 s2, s1  }
0x5: {  	s1 =	sadd.s32 s1, s17  }
0x6: {  	[smem:$0x3FC5] =	sst s1  }
0x7: {  	_ = 	snop  }
0x8: {  	(tm) =	ssettm $0x1  }
0x9: {  	s18 =	sld [smem:$0x3FFB];
	_ =	sdelay $0x3  }
0xa: {  	_ =	strace s18  }
0xb: {  	s1 =	sld [smem:$0x3FFC];
	_ =	sdelay $0x3  }
0xc: {  	_ =	strace s1  }
0xd: {  	s1 =	sld [smem:$0x3FFD];
	_ =	sdelay $0x3  }
0xe: {  	_ =	strace s1  }
0xf: {  	_ =	strace $0x8FFFFFFF  }
0x10: {  	s19 =	sld [smem:$0x3FDB];
	_ =	sdelay $0x1  }
0x11: {  	s20 =	simm.s32 $_scs_section_size  }
0x12: {  	s4 =	simm.s32 $_size__tile_overlayer_lowered;
	s5 =	simm.s32 $_tile_overlayer_lowered  }
0x13: {  	s23 =	simm.s32 $0x1BFF;
	s22 =	sshll.u32 s5, $0x1;
	s1 =	sadd.s32 s20, s19  }
0x14: {  	s6 =	simm.s32 $0x0;
	s21 =	sshll.u32 s4, $0x1;
	s4 =	sadd.s32 s22, s1  }
0x15: {  	[timem:s6], [sflag:s23] =	dma.local [hbm:s4], s21  }
0x16: {  	_ =	swait.ge [sflag:s23], s21  }
0x17: {  	s2 =	ssub.s32 $0x0, s21;
	[sflag:s23] =	ssyncset.done $0x0  }
0x18: {  	[sflag:s23] =	ssyncadd.s32 s2;
	_ =	sdelay $0x1  }
0x19: {  	s24 =	simm.s32 $0x1B8B  }
0x1a: {  	_ =	swait.ge [sflag:s24], $0x1  }
0x1b: {  	[sflag:s24] =	ssyncset.done $0x0  }
0x1c: {  	s26 =	simm.s32 $0x1B8E;
	s25 =	sld [smem:$0x3FFE];
	[sflag:s24] =	ssyncadd.s32 $0xFFFFFFFF  }
0x1d: {  	s27 =	simm.s32 $execute0_lowered;
	[smem:$0x3FD2] =	sst s26  }
0x1e: {  	s4 =	sshll.u32 s27, $0x1;
	_ =	strace $0x8000004C;
	[dreg:$0x1] =	wrdreg $0xFFFFFFFF  }
0x1f: {  	s28 =	simm.s32 $_size_execute0_lowered;
	s1 =	sadd.s32 s1, s4;
	[dreg:$0x0] =	wrdreg $0x0  }
0x20: {  	s4 =	sshll.u32 s28, $0x1;
	[dreg:$0x2] =	wrdreg s1  }
0x21: {  	[dreg:$0x3] =	wrdreg s4  }
0x22: {  	[dreg:$0x4] =	wrdreg $0xC0  }
0x23: {  	_ =	task [dreg:s6], $0x5FFFF  }
0x24: {  	[dreg:$0x1] =	wrdreg $0xFFFFFFFF  }
0x25: {  	[dreg:$0x0] =	wrdreg $0x60  }
0x26: {  	[dreg:$0x2] =	wrdreg s25  }
0x27: {  	[dreg:$0x3] =	wrdreg $0x9  }
0x28: {  	_ =	task.clear_ibuf [dreg:s6], $0x4FFFF;
	_ =	strace $0x9000004C  }
0x29: {  	s29 =	simm.s32 $0x9;
	_ =	strace $0x8000004E  }
0x2a: {  	_ =	swait.ge [sflag:s29], $0x1  }
0x2b: {  	[sflag:s29] =	ssyncadd.s32 $0xFFFFFFFF  }
0x2c: {  	_ =	strace $0x9000004E  }
0x2d: {  	_ =	sfence  }
0x2e: {  	s30 =	sld [smem:$0x0];
	_ =	sdelay $0x2  }
0x2f: {  	s31 =	sshll.u32 s3, $0xD;
	s3 =	sshrl.u32 s3, $0x2  }
0x30: {  	s2 =	sand.u32 $0x4000, s31;
	s1 =	sadd.s32 s3, s30  }
0x31: {  	s0 =	sor.u32 s2, s0;
	s1 =	sshll.u32 s1, $0x11  }
0x32: {  	s0 =	sor.u32 s1, s0  }
0x33: {  	s0 =	sadd.s32 $0x8F2B, s0  }
0x34: {  	[sflag:s0] =	ssyncadd.remote.s32 $0x1  }
0x35: {  	_ =	sfence.sel $0xFFFF  }
0x36: {  	[dreg:$0x0] =	wrdreg $0xFFFFFFFF;
	(pc) =	sbr.abs _section_cstart, $3  }
0x37: {  	[dreg:$0x1] =	wrdreg $0xFFFFFFFF  }
0x38: {  	_ =	task.clear_ibuf [dreg:s6], $0x2FFFF;
	_ =	strace $0x9FFFFFFF  }
0x39: {  	(tm) =	ssettm $0x7FFFFFFF  }
tec
execute0_lowered:
.L_overlay_start_1:
0x0: {  	(tag) =	ssettag $0x1  }
0x1: {  	s6 =	rddreg [dreg:$0x0]  }
0x2: {  	s1 =	srdreg.scid;
	s0 =	rddreg [dreg:$0x1]  }
0x3: {  	_ =	strace $0x8000004D;
	s31 =	simm.s32 $0x2;
	s13 =	simm.s32 $0x0  }
0x4: {  	p0 =	por $0x0, $0x0;
	s12 =	simm.s32 $0x0;
	s1 =	sshll.u32 s1, $0x7  }
0x5: {  	s11 =	simm.s32 $0x0;
	s2 =	sand.u32 $0x80, s1;
	s1 =	stileid.u32  }
0x6: {  	s4 =	sshrl.u32 s2, $0x3;
	s3 =	sshll.u32 s1, $0x7;
	s5 =	ssub.s32 $0x100, s2  }
0x7: {  	s30 =	ssub.s32 $0x18680, s3;
	s8 =	sshrl.u32 s5, $0x7;
	s5 =	sshrl.u32 s5, $0x8  }
.Ltmp0:
0x8: {  	s9 =	sshrl.u32 s30, $0xB;
	s8 =	sand.u32 $0x1, s8;
	(pc) =	sbr.rel .LBB1_1-.Ltmp0, $4  }
0x9: {  	s7 =	sadd.s32 s4, s6;
	s9 =	sadd.s32 $0x1, s9;
	s5 =	sadd.s32 s5, s8  }
0xa: {  	s4 =	simm.s32 $0x1;
	s6 =	sadd.s32 $0x30E800, s6;
	s5 =	smul.u32 s9, s5  }
0xb: {  	s10 =	smov.u32 s3;
	[sflag:s4] =	ssyncpa.u1 $0x0;
	s7 =	sadd.s32 $0x1400, s7  }
0xc: {  	[sflag:s31] =	ssyncpa.u1 $0x0;
	s9 =	simm.s32 $0xC3800;
	s8 =	sadd.s32 $0x1, s5  }
.LBB1_4:
0xd: {  	s13 =	sshrl.u32 s13, $0x3  }
0xe: {  	s19 =	sshll.u32 s12, $0x3;
	s13 =	smul.u32 $0xC3800, s13  }
0xf: {  	v5 =	vld [tilespmem:s17+$0xFFFFFFD0];
	[tilespmem:s16+$0x2040 ss:$0x81] =	vst.msk $0xffff, v4;
	s19 =	sand.u32 $0xFFFFFC00, s19  }
0x10: {  	v58 =	vld [tilespmem:s17+$0xFFFFFFE0];
	[tilespmem:s16+$0x2850 ss:$0x81] =	vst.msk $0xffff, v3;
	s30 =	sand.u32 $0x7F, s12;
	s13 =	sadd.s32 s19, s13  }
0x11: {  	s18 =	sshra.s32 s18, $0x2;
	v59 =	vld [tilespmem:s17+$0xFFFFFFF0];
	[tilespmem:s16+$0x3060 ss:$0x81] =	vst.msk $0xffff, v2;
	s12 =	sor.u32 s30, s13  }
0x12: {  	v60 =	vld [tilespmem:s17+$0x0];
	[tilespmem:s16+$0x0 ss:$0x81] =	vst.msk $0xffff, v0;
	s15 =	sadd.s32 s18, s15;
	s31 =	smulhi.u32 $0xA79C7B17, s12  }
0x13: {  	v61 =	vld [tilespmem:s17+$0x10];
	[tilespmem:s15+$0x3870 ss:$0x81] =	vst.msk $0xffff, v1  }
0x14: {  	v62 =	vld [tilespmem:s17+$0x20];
	s13 =	smulhi.u32 $0xA79C7B17, s13;
	[tilespmem:s15+$0x810 ss:$0x81] =	vst.msk $0xffff, v5;
	s16 =	sshrl.u32 s31, $0x10  }
0x15: {  	v63 =	vld [tilespmem:s17+$0xFFFFFFC0];
	[tilespmem:s15+$0x1020 ss:$0x81] =	vst.msk $0xffff, v58;
	s16 =	smul.u32 $0x18700, s16  }
0x16: {  	[tilespmem:s15+$0x1830 ss:$0x81] =	vst.msk $0xffff, v59;
	s13 =	sshrl.u32 s13, $0x10  }
0x17: {  	[tilespmem:s15+$0x2040 ss:$0x81] =	vst.msk $0xffff, v60;
	s13 =	sand.u32 $0xFF, s13;
	s12 =	ssub.s32 s12, s16  }
0x18: {  	[tilespmem:s15+$0x2850 ss:$0x81] =	vst.msk $0xffff, v61;
	s13 =	smul.u32 $0x30E0, s13;
	s16 =	sshrl.u32 s12, $0x3;
	s12 =	sand.u32 $0x7, s12  }
0x19: {  	[tilespmem:s15+$0x3060 ss:$0x81] =	vst.msk $0xffff, v62;
	s16 =	sadd.s32 s6, s16;
	s12 =	sshll.u32 s12, $0x12  }
0x1a: {  	[tilespmem:s15+$0x0 ss:$0x81] =	vst.msk $0xffff, v63;
	s13 =	sadd.s32 s13, s16;
	s12 =	sor.u32 $0x400, s12  }
0x1b: {  	[hbm4b:s13+s12] =	stream.strided.scatter [tilespmem:s14], [sflag:$0x2], $0x4000, s9, s12, $0x20;
	[tilespmem:$0x10100] =	vst v63  }
.LBB1_5:
0x1c: {  	s14 =	sadd.s32 $0x800, s10  }
0x1d: {  	p2 =	sgt.s32 s14, $0x1869F  }
0x1e: {  	s14 =	smov.u32 @p2 s3;
	p2 =	sne.s32 s11, s8  }
.Ltmp1:
0x1f: {  	p1 =	slt.u32 s11, $0x2;
	(pc) =	sbr.rel @!p2 .LBB1_6-.Ltmp1, $4  }
0x20: {  	s13 =	simm.s32 @!p1 $0x2  }
0x21: {  	s15 =	sadd.s32 $0x1, s11;
	s12 =	smov.u32 s10;
	_ =	swait.ge @!p1 [sflag:s13], $0x4000  }
0x22: {  	p0 =	por !p0, !p0;
	s11 =	smov.u32 s15;
	[sflag:s13] =	ssyncset.done @!p1 $0x0  }
0x23: {  	s10 =	smov.u32 s14;
	[sflag:s13] =	ssyncadd.s32 @!p1 $0xFFFFC000;
	s13 =	smov.u32 s2  }
.LBB1_1:
0x24: {  	p1 =	sge.u32 s11, s5  }
0x25: {  	p2 =	sgt.s32 @!p1 s10, $0x18620  }
0x26: {  	s14 =	smov.u32 s10;
	s15 =	sshra.s32 @!p1 s10, $0x1F;
	p2 =	por !p2, p1  }
0x27: {  	s15 =	sand.u32 @!p1 s15, s10;
	s14 =	simm.s32 @p2 $0x18620  }
0x28: {  	s14 =	ssub.s32 @!p1 s14, s15  }
0x29: {  	s31 =	sadd.s32 $0xFFFFFFFF, s11;
	s16 =	sxor.u32 @!p1 $0xFFFFFFFF, s11;
	s14 =	sadd.s32 @!p1 $0xFFFE79E0, s14  }
0x2a: {  	s17 =	simm.s32 @!p1 $0x80;
	s18 =	simm.s32 @!p1 $0x100;
	s15 =	sshll.u32 @!p1 s14, $0x7  }
0x2b: {  	p2 =	sgt.s32 @!p1 s14, $0x7F;
	s14 =	ssub.s32 @!p1 $0x4000, s15;
	s15 =	sshll.u32 @!p1 s16, $0xE  }
0x2c: {  	p2 =	por !p2, p1;
	s16 =	sshll.u32 @!p1 s10, $0x5;
	s14 =	sand.u32 @!p1 $0x3FFFFF80, s14  }
0x2d: {  	s15 =	sand.u32 @!p1 $0x4000, s15;
	s16 =	sadd.s32 @!p1 s16, s7;
	s14 =	simm.s32 @!p2 $0x0  }
0x2e: {  	[tilespmem:s15], [sflag:$0x1] =	stream.strided.gather @!p1 [hbm4b:s16+s17], s14, s18, s17, $0x38;
	[tilespmem:$0x10100] =	vst v63  }
0x2f: {  	p1 =	sge.u32 s31, s5  }
.Ltmp2:
0x30: {  	_ = 	snop;
	(pc) =	sbr.rel @p1 .LBB1_5-.Ltmp2, $1  }
0x31: {  	_ =	sdelay $0x3  }
0x32: {  	p1 =	sgt.s32 s12, $0x18620;
	s14 =	smov.u32 s12;
	s15 =	sshra.s32 s12, $0x1F  }
0x33: {  	s14 =	simm.s32 @!p1 $0x18620;
	s15 =	sand.u32 s15, s12  }
0x34: {  	s14 =	ssub.s32 s14, s15  }
0x35: {  	s14 =	sadd.s32 $0xFFFE79E0, s14  }
0x36: {  	s29 =	sshll.u32 s14, $0x7  }
0x37: {  	s15 =	ssub.s32 $0x4000, s29  }
0x38: {  	p1 =	sgt.s32 s14, $0x7F;
	s14 =	sand.u32 $0x3FFFFF80, s15  }
0x39: {  	s15 =	simm.s32 $0x1;
	s14 =	simm.s32 @p1 $0x0  }
0x3a: {  	s15 =	simm.s32 @!p0 $0x0;
	_ =	swait.ge [sflag:s4], s14  }
0x3b: {  	s16 =	sshll.u32 s15, $0xE;
	s14 =	ssub.s32 $0x0, s14;
	[sflag:s4] =	ssyncset.done $0x0  }
0x3c: {  	s17 =	sor.u32 $0x40, s16;
	[sflag:s4] =	ssyncadd.s32 s14  }
0x3d: {  	s30 =	smul.u32 $0x10200, s15;
	v0 =	vld [tilespmem:s17+$0x30]  }
0x3e: {  	v1 =	vld [tilespmem:s17+$0xFFFFFFD0]  }
0x3f: {  	s14 =	sshrl.u32 s30, $0x2;
	v5 =	vld [tilespmem:s17+$0xFFFFFFE0]  }
0x40: {  	s15 =	sor.u32 $0x8000, s14;
	v6 =	vld [tilespmem:s17+$0xFFFFFFF0]  }
0x41: {  	s31 =	sand.u32 $0x1, s11;
	v4 =	vld [tilespmem:s17+$0x0];
	s16 =	sadd.s32 $0x0, s15  }
0x42: {  	s14 =	smul.u32 $0x10200, s31;
	v3 =	vld [tilespmem:s17+$0x10];
	[tilespmem:s16+$0x3870 ss:$0x81] =	vst.msk $0xffff, v0  }
0x43: {  	v2 =	vld [tilespmem:s17+$0x20];
	[tilespmem:s16+$0x810 ss:$0x81] =	vst.msk $0xffff, v1  }
0x44: {  	s14 =	sshrl.u32 s14, $0x2;
	v0 =	vld [tilespmem:s17+$0xFFFFFFC0];
	[tilespmem:s16+$0x1020 ss:$0x81] =	vst.msk $0xffff, v5;
	s17 =	sadd.s32 $0x80, s17  }
0x45: {  	s18 =	simm.s32 $0x4;
	s19 =	simm.s32 $0x8;
	s14 =	sor.u32 $0x8000, s14;
	[tilespmem:s16+$0x1830 ss:$0x81] =	vst.msk $0xffff, v6;
	v1 =	vld [tilespmem:s17+$0x30]  }
.LBB1_3:
0x46: {  	p1 =	sne.s32 s19, $0x1FC;
	v5 =	vld [tilespmem:s17+$0xFFFFFFD0];
	[tilespmem:s16+$0x2040 ss:$0x81] =	vst.msk $0xffff, v4  }
0x47: {  	v6 =	vld [tilespmem:s17+$0xFFFFFFE0];
	[tilespmem:s16+$0x2850 ss:$0x81] =	vst.msk $0xffff, v3  }
0x48: {  	s20 =	sshra.s32 s18, $0x2;
	s18 =	smov.u32 s19;
	v7 =	vld [tilespmem:s17+$0xFFFFFFF0];
	[tilespmem:s16+$0x3060 ss:$0x81] =	vst.msk $0xffff, v2  }
.Ltmp3:
0x49: {  	v4 =	vld [tilespmem:s17+$0x0];
	[tilespmem:s16+$0x0 ss:$0x81] =	vst.msk $0xffff, v0;
	s16 =	sadd.s32 s20, s15;
	(pc) =	sbr.rel @p1 .LBB1_3-.Ltmp3, $4  }
0x4a: {  	v3 =	vld [tilespmem:s17+$0x10];
	[tilespmem:s16+$0x3870 ss:$0x81] =	vst.msk $0xffff, v1  }
0x4b: {  	[tilespmem:s16+$0x810 ss:$0x81] =	vst.msk $0xffff, v5;
	v2 =	vld [tilespmem:s17+$0x20]  }
0x4c: {  	v0 =	vld [tilespmem:s17+$0xFFFFFFC0];
	[tilespmem:s16+$0x1020 ss:$0x81] =	vst.msk $0xffff, v6;
	s17 =	sadd.s32 $0x80, s17  }
0x4d: {  	s19 =	sadd.s32 $0x4, s19;
	v1 =	vld [tilespmem:s17+$0x30];
	[tilespmem:s16+$0x1830 ss:$0x81] =	vst.msk $0xffff, v7  }
.Ltmp4:
0x4e: {  	_ = 	snop;
	(pc) =	sbr.rel .LBB1_4-.Ltmp4, $1  }
0x4f: {  	_ =	sdelay $0x3  }
.LBB1_6:
0x50: {  	_ =	sfence.sel $0x180000  }
0x51: {  	s2 =	simm.s32 $0x1;
	[bflag:$0x0] =	sbarrier.arrive $0xFFFF  }
0x52: {  	s31 =	simm.s32 $0x2;
	[sflag:s2] =	ssyncpa.u1 $0x1  }
0x53: {  	[sflag:s31] =	ssyncpa.u1 $0x1  }
0x54: {  	p0 =	sne.s32 s1, $0x0;
	_ =	strace $0x9000004D  }
0x55: {  	s0 =	sadd.s32 @!p0 $0x100000, s0;
	[bflag:$0x2] =	sbarrier.arrive $0xFFFF  }
0x56: {  	[sflag:s0] =	ssyncadd.tile.s32 @!p0 $0x1;
	_ =	shalt  }
.Lfunc_end1:
_tile_overlayer_lowered:
.L_overlay_start_2:
0x57: {  	(tag) =	ssettag $0x2  }
0x58: {  	s0 =	rddreg [dreg:$0x0];
	s2 =	stileid.u32  }
0x59: {  	s1 =	rddreg [dreg:$0x1];
	p0 =	sne.s32 s2, $0x0  }
0x5a: {  	s3 =	rddreg [dreg:$0x2];
	[bflag:$0x3] =	sbarrier.arrive $0xFFFF;
	s2 =	simm.s32 @!p0 $0x1C01  }
0x5b: {  	[timem:s3], [sflag:s2] =	dma.local @!p0 [hbm:s0], s1  }
0x5c: {  	s0 =	simm.s32 @!p0 $0x1  }
0x5d: {  	_ =	swait.ge @!p0 [sflag:s0], s1  }
0x5e: {  	s1 =	ssub.s32 @!p0 $0x0, s1;
	[sflag:s0] =	ssyncset.done @!p0 $0x0  }
0x5f: {  	[sflag:s0] =	ssyncadd.s32 @!p0 s1  }
0x60: {  	[bflag:$0x3] =	sbarrier.arrive $0xFFFF  }
0x61: {  	_ =	shalt  }

</sc_bundles>
